<compile_context>
chip_gen: v7x
topology: tpu7x:2x2x1
jax: 0.10.2.dev20260603
libtpu: 0.0.44.dev20260713+nightly
codegen_flags: <defaults>
</compile_context>

<pallas_src>
import jax
import jax.numpy as jnp
from jax import lax
from jax.experimental import pallas as pl
from jax.experimental.pallas import tpu as pltpu
from jax.experimental.pallas import tpu_sc as plsc

NUM_FIELDS = 26
VOCAB = 10000
D_EMBED = 100
BATCH = 16384
D_PAD = 128
F_HALF = NUM_FIELDS // 2

_INFO = plsc.get_sparse_core_info()
NC = _INFO.num_cores
NS = _INFO.num_subcores
NW = NC * NS
L = _INFO.num_lanes

N_ROWS = BATCH * NUM_FIELDS
ROWS_PER_W = N_ROWS // NW
CHUNK = 128
NCHUNKS = ROWS_PER_W // CHUNK
NBUF = 2


def _gather_body(idx_hbm, taba_hbm, tabb_hbm, out_hbm, idx_all, rows_v,
                 gsem, wsem):
    wid = lax.axis_index("s") * NC + lax.axis_index("c")
    wbase = wid * ROWS_PER_W
    pltpu.sync_copy(idx_hbm.at[pl.ds(wbase, ROWS_PER_W)], idx_all)

    def out_slice(c):
        return out_hbm.at[pl.ds(wbase + c * CHUNK, CHUNK)]

    def run(tab_hbm):
        def pair_body(i, carry):
            c0 = i * NBUF

            @pl.when(i > 0)
            def _():
                for b in range(NBUF):
                    pltpu.make_async_copy(
                        rows_v.at[b], out_slice(0), wsem[b]).wait()

            for b in range(NBUF):
                pltpu.async_copy(
                    tab_hbm.at[idx_all.at[pl.ds((c0 + b) * CHUNK, CHUNK)]],
                    rows_v.at[b], gsem[b])
            for b in range(NBUF):
                pltpu.make_async_copy(
                    tab_hbm.at[idx_all.at[pl.ds((c0 + b) * CHUNK, CHUNK)]],
                    rows_v.at[b], gsem[b]).wait()
                pltpu.async_copy(rows_v.at[b], out_slice(c0 + b), wsem[b])
            return carry

        lax.fori_loop(0, NCHUNKS // NBUF, pair_body, 0)
        for b in range(NBUF):
            pltpu.make_async_copy(rows_v.at[b], out_slice(0), wsem[b]).wait()

    @pl.when(wbase < F_HALF * BATCH)
    def _():
        run(taba_hbm)

    @pl.when(wbase >= F_HALF * BATCH)
    def _():
        run(tabb_hbm)


@jax.jit
def _gather(x_flat, tab_a, tab_b):
    mesh = plsc.VectorSubcoreMesh(core_axis_name="c", subcore_axis_name="s")
    call = pl.kernel(
        _gather_body,
        out_type=jax.ShapeDtypeStruct((N_ROWS, D_PAD), jnp.float32),
        mesh=mesh,
        scratch_types=[
            pltpu.VMEM((ROWS_PER_W,), jnp.int32),
            pltpu.VMEM((NBUF, CHUNK, D_PAD), jnp.float32),
            [pltpu.SemaphoreType.DMA] * NBUF,
            [pltpu.SemaphoreType.DMA] * NBUF,
        ],
        compiler_params=pltpu.CompilerParams(
            use_tc_tiling_on_sc=False, needs_layout_passes=False),
    )
    return call(x_flat, tab_a, tab_b)


def _padded_half(tab_half):
    return lax.pad(
        tab_half, jnp.float32(0), ((0, 0, 0), (0, 0, 0), (0, D_PAD - D_EMBED, 0))
    ).reshape(F_HALF * VOCAB, D_PAD)


def kernel(x_cat, tables):
    f_ids = jnp.arange(NUM_FIELDS, dtype=jnp.int32)
    half_off = jnp.where(f_ids < F_HALF, f_ids, f_ids - F_HALF) * VOCAB
    x_flat = (x_cat.T + half_off[:, None]).reshape(N_ROWS)
    tab_a = _padded_half(tables[:F_HALF])
    tab_b = _padded_half(tables[F_HALF:])
    out = _gather(x_flat, tab_a, tab_b)
    out = out[:, :D_EMBED].reshape(NUM_FIELDS, BATCH, D_EMBED)
    return out.transpose(1, 0, 2).reshape(BATCH, NUM_FIELDS * D_EMBED)

# --- scband reference (transcript-rebuilt; emitter-appended) ---
"""Pipeline reference for scband-cat-embedding-sqrt-67233418052014 (READ-ONLY COPY).

The authoritative reference and input builder live on the scoring server;
editing this copy changes nothing except your own understanding.
"""

import jax, jax.numpy as jnp
import numpy as np

NUM_FIELDS = 26
VOCAB = 10000
D_EMBED = 100
BATCH = 16384


def setup_inputs(seed: int = 0) -> dict:
    key = jax.random.key(seed)
    k1, k2 = jax.random.split(key)
    x_cat = jax.random.randint(k1, (BATCH, NUM_FIELDS), 0, VOCAB, dtype=jnp.int32)
    # Stacked embedding tables: one [VOCAB, D_EMBED] table per categorical field
    tables = jax.random.normal(k2, (NUM_FIELDS, VOCAB, D_EMBED), dtype=jnp.float32)
    return {"x_cat": x_cat, "tables": tables}


def reference(x_cat, tables):
    # Faithful translation of CatEmbeddingSqrt.forward:
    # per-field embedding lookup, then concat along feature dim.
    outs = [jnp.take(tables[i], x_cat[:, i], axis=0) for i in range(NUM_FIELDS)]
    return jnp.concatenate(outs, axis=1)

if __name__ == "__main__":
    import jax
    _d = setup_inputs()
    print(jax.jit(kernel)(*tuple(_d.values())))

</pallas_src>

<mosaic_0001>
#map = affine_map<(d0, d1) -> (0)>
#map1 = affine_map<(d0, d1) -> (0, 0)>
module attributes {stable_mosaic.version = 14 : i64} {
  func.func @_gather_body(%arg0: i32, %arg1: i32, %arg2: memref<425984xi32, #tpu.memory_space<hbm>>, %arg3: memref<130000x128xf32, #tpu.memory_space<hbm>>, %arg4: memref<130000x128xf32, #tpu.memory_space<hbm>>, %arg5: memref<425984x128xf32, #tpu.memory_space<hbm>>, %arg6: memref<13312xi32, #tpu.memory_space<vmem>>, %arg7: memref<2x128x128xf32, #tpu.memory_space<vmem>>, %arg8: memref<!tpu.dma_semaphore, #tpu.memory_space<semaphore_mem>>, %arg9: memref<!tpu.dma_semaphore, #tpu.memory_space<semaphore_mem>>, %arg10: memref<!tpu.dma_semaphore, #tpu.memory_space<semaphore_mem>>, %arg11: memref<!tpu.dma_semaphore, #tpu.memory_space<semaphore_mem>>) attributes {dimension_semantics = [#tpu.dimension_semantics<core_parallel>, #tpu.dimension_semantics<subcore_parallel>], iteration_bounds = array<i64: 2, 16>, scalar_prefetch = 0 : i64, scratch_operands = 6 : i64, tpu.core_type = #tpu.core_type<sc_vector_subcore>, window_params = [{transform_indices = #map}, {transform_indices = #map1}, {transform_indices = #map1}, {transform_indices = #map1}]} {
    %mul3A = arith.constant 2 : i32
    %mul3A_0 = arith.muli %arg1, %mul3A : i32
    %add3A = arith.addi %mul3A_0, %arg0 : i32
    %mul3A_1 = arith.constant 13312 : i32
    %mul3A_2 = arith.muli %add3A, %mul3A_1 : i32
    "tpu.region"() ({
      %run_scoped3A = tpu.sem_alloc : memref<!tpu.dma_semaphore, #tpu.memory_space<semaphore_mem>>
      %dma_start3A = tpu.memref_slice %arg2[%mul3A_2] : memref<425984xi32, #tpu.memory_space<hbm>> -> memref<13312xi32, #tpu.memory_space<hbm>>
      %dma_start3A_9 = tpu.memref_slice %arg2[%mul3A_2] : memref<425984xi32, #tpu.memory_space<hbm>> -> memref<13312xi32, #tpu.memory_space<hbm>>
      tpu.enqueue_dma source(%dma_start3A_9 : memref<13312xi32, #tpu.memory_space<hbm>>) target(%arg6 : memref<13312xi32, #tpu.memory_space<vmem>>) target_semaphore(%run_scoped3A : memref<!tpu.dma_semaphore, #tpu.memory_space<semaphore_mem>>)
      %dma_wait3A = tpu.memref_slice %arg2[%mul3A_2] : memref<425984xi32, #tpu.memory_space<hbm>> -> memref<13312xi32, #tpu.memory_space<hbm>>
      %dma_wait3A_10 = tpu.memref_slice %arg2[%mul3A_2] : memref<425984xi32, #tpu.memory_space<hbm>> -> memref<13312xi32, #tpu.memory_space<hbm>>
      tpu.wait_dma2 semaphore(%run_scoped3A : memref<!tpu.dma_semaphore, #tpu.memory_space<semaphore_mem>>) src(%dma_wait3A_10 : memref<13312xi32, #tpu.memory_space<hbm>>) dst(%arg6 : memref<13312xi32, #tpu.memory_space<vmem>>)
      tpu.yield
    }) : () -> ()
    %lt3A = arith.constant 212992 : i32
    %lt3A_3 = arith.cmpi slt, %mul3A_2, %lt3A : i32
    %convert_element_type3A = arith.extui %lt3A_3 : i1 to i32
    %cond3A = arith.constant 0 : i32
    %cond3A_4 = arith.cmpi ne, %convert_element_type3A, %cond3A : i32
    scf.if %cond3A_4 {
      %scan3A = arith.constant 0 : i32
      %scan3A_9 = arith.constant 0 : i32
      %scan3A_10 = arith.constant 52 : i32
      %scan3A_11 = arith.addi %scan3A_9, %scan3A_10 : i32
      %scan3A_12 = arith.constant 1 : i32
      scf.for %scan3A_43 = %scan3A_9 to %scan3A_11 step %scan3A_12  : i32 {
        %mul3A_44 = arith.constant 2 : i32
        %mul3A_45 = arith.muli %scan3A_43, %mul3A_44 : i32
        %gt3A = arith.constant 0 : i32
        %gt3A_46 = arith.cmpi sgt, %scan3A_43, %gt3A : i32
        %convert_element_type3A_47 = arith.extui %gt3A_46 : i1 to i32
        %cond3A_48 = arith.constant 0 : i32
        %cond3A_49 = arith.cmpi ne, %convert_element_type3A_47, %cond3A_48 : i32
        scf.if %cond3A_49 {
          %add3A_137 = arith.constant 0 : i32
          %add3A_138 = arith.addi %mul3A_2, %add3A_137 : i32
          %dma_wait3A_139 = arith.constant 0 : i32
          %dma_wait3A_140 = arith.constant 0 : i32
          %dma_wait3A_141 = arith.constant 0 : i32
          %dma_wait3A_142 = tpu.memref_slice %arg7[%dma_wait3A_139, %dma_wait3A_140, %dma_wait3A_141] : memref<2x128x128xf32, #tpu.memory_space<vmem>> -> memref<1x128x128xf32, #tpu.memory_space<vmem>>
          %dma_wait3A_143 = tpu.memref_squeeze %dma_wait3A_142 : memref<1x128x128xf32, #tpu.memory_space<vmem>> -> memref<128x128xf32, #tpu.memory_space<vmem>>
          %dma_wait3A_144 = arith.constant 0 : i32
          %dma_wait3A_145 = tpu.memref_slice %arg5[%add3A_138, %dma_wait3A_144] : memref<425984x128xf32, #tpu.memory_space<hbm>> -> memref<128x128xf32, #tpu.memory_space<hbm>>
          %dma_wait3A_146 = arith.constant 0 : i32
          %dma_wait3A_147 = tpu.memref_slice %arg5[%add3A_138, %dma_wait3A_146] : memref<425984x128xf32, #tpu.memory_space<hbm>> -> memref<128x128xf32, #tpu.memory_space<hbm>>
          %dma_wait3A_148 = arith.constant 0 : i32
          %dma_wait3A_149 = arith.constant 0 : i32
          %dma_wait3A_150 = tpu.memref_slice %arg7[%dma_wait3A_139, %dma_wait3A_148, %dma_wait3A_149] : memref<2x128x128xf32, #tpu.memory_space<vmem>> -> memref<1x128x128xf32, #tpu.memory_space<vmem>>
          %dma_wait3A_151 = tpu.memref_squeeze %dma_wait3A_150 : memref<1x128x128xf32, #tpu.memory_space<vmem>> -> memref<128x128xf32, #tpu.memory_space<vmem>>
          tpu.wait_dma2 semaphore(%arg10 : memref<!tpu.dma_semaphore, #tpu.memory_space<semaphore_mem>>) src(%dma_wait3A_151 : memref<128x128xf32, #tpu.memory_space<vmem>>) dst(%dma_wait3A_147 : memref<128x128xf32, #tpu.memory_space<hbm>>)
          %add3A_152 = arith.constant 0 : i32
          %add3A_153 = arith.addi %mul3A_2, %add3A_152 : i32
          %dma_wait3A_154 = arith.constant 1 : i32
          %dma_wait3A_155 = arith.constant 0 : i32
          %dma_wait3A_156 = arith.constant 0 : i32
          %dma_wait3A_157 = tpu.memref_slice %arg7[%dma_wait3A_154, %dma_wait3A_155, %dma_wait3A_156] : memref<2x128x128xf32, #tpu.memory_space<vmem>> -> memref<1x128x128xf32, #tpu.memory_space<vmem>>
          %dma_wait3A_158 = tpu.memref_squeeze %dma_wait3A_157 : memref<1x128x128xf32, #tpu.memory_space<vmem>> -> memref<128x128xf32, #tpu.memory_space<vmem>>
          %dma_wait3A_159 = arith.constant 0 : i32
          %dma_wait3A_160 = tpu.memref_slice %arg5[%add3A_153, %dma_wait3A_159] : memref<425984x128xf32, #tpu.memory_space<hbm>> -> memref<128x128xf32, #tpu.memory_space<hbm>>
          %dma_wait3A_161 = arith.constant 0 : i32
          %dma_wait3A_162 = tpu.memref_slice %arg5[%add3A_153, %dma_wait3A_161] : memref<425984x128xf32, #tpu.memory_space<hbm>> -> memref<128x128xf32, #tpu.memory_space<hbm>>
          %dma_wait3A_163 = arith.constant 0 : i32
          %dma_wait3A_164 = arith.constant 0 : i32
          %dma_wait3A_165 = tpu.memref_slice %arg7[%dma_wait3A_154, %dma_wait3A_163, %dma_wait3A_164] : memref<2x128x128xf32, #tpu.memory_space<vmem>> -> memref<1x128x128xf32, #tpu.memory_space<vmem>>
          %dma_wait3A_166 = tpu.memref_squeeze %dma_wait3A_165 : memref<1x128x128xf32, #tpu.memory_space<vmem>> -> memref<128x128xf32, #tpu.memory_space<vmem>>
          tpu.wait_dma2 semaphore(%arg11 : memref<!tpu.dma_semaphore, #tpu.memory_space<semaphore_mem>>) src(%dma_wait3A_166 : memref<128x128xf32, #tpu.memory_space<vmem>>) dst(%dma_wait3A_162 : memref<128x128xf32, #tpu.memory_space<hbm>>)
        } else {
        }
        %add3A_50 = arith.constant 0 : i32
        %add3A_51 = arith.addi %mul3A_45, %add3A_50 : i32
        %mul3A_52 = arith.constant 128 : i32
        %mul3A_53 = arith.muli %add3A_51, %mul3A_52 : i32
        %dma_start3A = arith.constant 0 : i32
        %dma_start3A_54 = arith.constant 0 : i32
        %dma_start3A_55 = arith.constant 0 : i32
        %dma_start3A_56 = tpu.memref_slice %arg7[%dma_start3A, %dma_start3A_54, %dma_start3A_55] : memref<2x128x128xf32, #tpu.memory_space<vmem>> -> memref<1x128x128xf32, #tpu.memory_space<vmem>>
        %dma_start3A_57 = tpu.memref_squeeze %dma_start3A_56 : memref<1x128x128xf32, #tpu.memory_space<vmem>> -> memref<128x128xf32, #tpu.memory_space<vmem>>
        %dma_start3A_58 = tpu.memref_slice %arg6[%mul3A_53] : memref<13312xi32, #tpu.memory_space<vmem>> -> memref<128xi32, #tpu.memory_space<vmem>>
        %dma_start3A_59 = arith.constant 0 : i32
        %dma_start3A_60 = arith.constant 0 : i32
        %dma_start3A_61 = tpu.memref_slice %arg3[%dma_start3A_59, %dma_start3A_60] : memref<130000x128xf32, #tpu.memory_space<hbm>> -> memref<130000x128xf32, #tpu.memory_space<hbm>>
        tpu.enqueue_indirect_dma source(%dma_start3A_61 : memref<130000x128xf32, #tpu.memory_space<hbm>>) target(%dma_start3A_57 : memref<128x128xf32, #tpu.memory_space<vmem>>) offsets(%dma_start3A_58 : memref<128xi32, #tpu.memory_space<vmem>>) semaphore(%arg8 : memref<!tpu.dma_semaphore, #tpu.memory_space<semaphore_mem>>)
        %add3A_62 = arith.constant 1 : i32
        %add3A_63 = arith.addi %mul3A_45, %add3A_62 : i32
        %mul3A_64 = arith.constant 128 : i32
        %mul3A_65 = arith.muli %add3A_63, %mul3A_64 : i32
        %dma_start3A_66 = arith.constant 1 : i32
        %dma_start3A_67 = arith.constant 0 : i32
        %dma_start3A_68 = arith.constant 0 : i32
        %dma_start3A_69 = tpu.memref_slice %arg7[%dma_start3A_66, %dma_start3A_67, %dma_start3A_68] : memref<2x128x128xf32, #tpu.memory_space<vmem>> -> memref<1x128x128xf32, #tpu.memory_space<vmem>>
        %dma_start3A_70 = tpu.memref_squeeze %dma_start3A_69 : memref<1x128x128xf32, #tpu.memory_space<vmem>> -> memref<128x128xf32, #tpu.memory_space<vmem>>
        %dma_start3A_71 = tpu.memref_slice %arg6[%mul3A_65] : memref<13312xi32, #tpu.memory_space<vmem>> -> memref<128xi32, #tpu.memory_space<vmem>>
        %dma_start3A_72 = arith.constant 0 : i32
        %dma_start3A_73 = arith.constant 0 : i32
        %dma_start3A_74 = tpu.memref_slice %arg3[%dma_start3A_72, %dma_start3A_73] : memref<130000x128xf32, #tpu.memory_space<hbm>> -> memref<130000x128xf32, #tpu.memory_space<hbm>>
        tpu.enqueue_indirect_dma source(%dma_start3A_74 : memref<130000x128xf32, #tpu.memory_space<hbm>>) target(%dma_start3A_70 : memref<128x128xf32, #tpu.memory_space<vmem>>) offsets(%dma_start3A_71 : memref<128xi32, #tpu.memory_space<vmem>>) semaphore(%arg9 : memref<!tpu.dma_semaphore, #tpu.memory_space<semaphore_mem>>)
        %add3A_75 = arith.constant 0 : i32
        %add3A_76 = arith.addi %mul3A_45, %add3A_75 : i32
        %mul3A_77 = arith.constant 128 : i32
        %mul3A_78 = arith.muli %add3A_76, %mul3A_77 : i32
        %dma_wait3A_79 = arith.constant 0 : i32
        %dma_wait3A_80 = arith.constant 0 : i32
        %dma_wait3A_81 = arith.constant 0 : i32
        %dma_wait3A_82 = tpu.memref_slice %arg7[%dma_wait3A_79, %dma_wait3A_80, %dma_wait3A_81] : memref<2x128x128xf32, #tpu.memory_space<vmem>> -> memref<1x128x128xf32, #tpu.memory_space<vmem>>
        %dma_wait3A_83 = tpu.memref_squeeze %dma_wait3A_82 : memref<1x128x128xf32, #tpu.memory_space<vmem>> -> memref<128x128xf32, #tpu.memory_space<vmem>>
        %dma_wait3A_84 = tpu.memref_slice %arg6[%mul3A_78] : memref<13312xi32, #tpu.memory_space<vmem>> -> memref<128xi32, #tpu.memory_space<vmem>>
        %dma_wait3A_85 = arith.constant 0 : i32
        %dma_wait3A_86 = arith.constant 0 : i32
        %dma_wait3A_87 = tpu.memref_slice %arg3[%dma_wait3A_85, %dma_wait3A_86] : memref<130000x128xf32, #tpu.memory_space<hbm>> -> memref<130000x128xf32, #tpu.memory_space<hbm>>
        tpu.wait_indirect_dma semaphore(%arg8 : memref<!tpu.dma_semaphore, #tpu.memory_space<semaphore_mem>>) src(%dma_wait3A_87 : memref<130000x128xf32, #tpu.memory_space<hbm>>) dst(%dma_wait3A_83 : memref<128x128xf32, #tpu.memory_space<vmem>>)
        %add3A_88 = arith.constant 0 : i32
        %add3A_89 = arith.addi %mul3A_45, %add3A_88 : i32
        %mul3A_90 = arith.constant 128 : i32
        %mul3A_91 = arith.muli %add3A_89, %mul3A_90 : i32
        %add3A_92 = arith.addi %mul3A_2, %mul3A_91 : i32
        %dma_start3A_93 = arith.constant 0 : i32
        %dma_start3A_94 = arith.constant 0 : i32
        %dma_start3A_95 = arith.constant 0 : i32
        %dma_start3A_96 = tpu.memref_slice %arg7[%dma_start3A_93, %dma_start3A_94, %dma_start3A_95] : memref<2x128x128xf32, #tpu.memory_space<vmem>> -> memref<1x128x128xf32, #tpu.memory_space<vmem>>
        %dma_start3A_97 = tpu.memref_squeeze %dma_start3A_96 : memref<1x128x128xf32, #tpu.memory_space<vmem>> -> memref<128x128xf32, #tpu.memory_space<vmem>>
        %dma_start3A_98 = arith.constant 0 : i32
        %dma_start3A_99 = tpu.memref_slice %arg5[%add3A_92, %dma_start3A_98] : memref<425984x128xf32, #tpu.memory_space<hbm>> -> memref<128x128xf32, #tpu.memory_space<hbm>>
        %dma_start3A_100 = arith.constant 0 : i32
        %dma_start3A_101 = tpu.memref_slice %arg5[%add3A_92, %dma_start3A_100] : memref<425984x128xf32, #tpu.memory_space<hbm>> -> memref<128x128xf32, #tpu.memory_space<hbm>>
        %dma_start3A_102 = arith.constant 0 : i32
        %dma_start3A_103 = arith.constant 0 : i32
        %dma_start3A_104 = tpu.memref_slice %arg7[%dma_start3A_93, %dma_start3A_102, %dma_start3A_103] : memref<2x128x128xf32, #tpu.memory_space<vmem>> -> memref<1x128x128xf32, #tpu.memory_space<vmem>>
        %dma_start3A_105 = tpu.memref_squeeze %dma_start3A_104 : memref<1x128x128xf32, #tpu.memory_space<vmem>> -> memref<128x128xf32, #tpu.memory_space<vmem>>
        tpu.enqueue_dma source(%dma_start3A_105 : memref<128x128xf32, #tpu.memory_space<vmem>>) target(%dma_start3A_101 : memref<128x128xf32, #tpu.memory_space<hbm>>) target_semaphore(%arg10 : memref<!tpu.dma_semaphore, #tpu.memory_space<semaphore_mem>>)
        %add3A_106 = arith.constant 1 : i32
        %add3A_107 = arith.addi %mul3A_45, %add3A_106 : i32
        %mul3A_108 = arith.constant 128 : i32
        %mul3A_109 = arith.muli %add3A_107, %mul3A_108 : i32
        %dma_wait3A_110 = arith.constant 1 : i32
        %dma_wait3A_111 = arith.constant 0 : i32
        %dma_wait3A_112 = arith.constant 0 : i32
        %dma_wait3A_113 = tpu.memref_slice %arg7[%dma_wait3A_110, %dma_wait3A_111, %dma_wait3A_112] : memref<2x128x128xf32, #tpu.memory_space<vmem>> -> memref<1x128x128xf32, #tpu.memory_space<vmem>>
        %dma_wait3A_114 = tpu.memref_squeeze %dma_wait3A_113 : memref<1x128x128xf32, #tpu.memory_space<vmem>> -> memref<128x128xf32, #tpu.memory_space<vmem>>
        %dma_wait3A_115 = tpu.memref_slice %arg6[%mul3A_109] : memref<13312xi32, #tpu.memory_space<vmem>> -> memref<128xi32, #tpu.memory_space<vmem>>
        %dma_wait3A_116 = arith.constant 0 : i32
        %dma_wait3A_117 = arith.constant 0 : i32
        %dma_wait3A_118 = tpu.memref_slice %arg3[%dma_wait3A_116, %dma_wait3A_117] : memref<130000x128xf32, #tpu.memory_space<hbm>> -> memref<130000x128xf32, #tpu.memory_space<hbm>>
        tpu.wait_indirect_dma semaphore(%arg9 : memref<!tpu.dma_semaphore, #tpu.memory_space<semaphore_mem>>) src(%dma_wait3A_118 : memref<130000x128xf32, #tpu.memory_space<hbm>>) dst(%dma_wait3A_114 : memref<128x128xf32, #tpu.memory_space<vmem>>)
        %add3A_119 = arith.constant 1 : i32
        %add3A_120 = arith.addi %mul3A_45, %add3A_119 : i32
        %mul3A_121 = arith.constant 128 : i32
        %mul3A_122 = arith.muli %add3A_120, %mul3A_121 : i32
        %add3A_123 = arith.addi %mul3A_2, %mul3A_122 : i32
        %dma_start3A_124 = arith.constant 1 : i32
        %dma_start3A_125 = arith.constant 0 : i32
        %dma_start3A_126 = arith.constant 0 : i32
        %dma_start3A_127 = tpu.memref_slice %arg7[%dma_start3A_124, %dma_start3A_125, %dma_start3A_126] : memref<2x128x128xf32, #tpu.memory_space<vmem>> -> memref<1x128x128xf32, #tpu.memory_space<vmem>>
        %dma_start3A_128 = tpu.memref_squeeze %dma_start3A_127 : memref<1x128x128xf32, #tpu.memory_space<vmem>> -> memref<128x128xf32, #tpu.memory_space<vmem>>
        %dma_start3A_129 = arith.constant 0 : i32
        %dma_start3A_130 = tpu.memref_slice %arg5[%add3A_123, %dma_start3A_129] : memref<425984x128xf32, #tpu.memory_space<hbm>> -> memref<128x128xf32, #tpu.memory_space<hbm>>
        %dma_start3A_131 = arith.constant 0 : i32
        %dma_start3A_132 = tpu.memref_slice %arg5[%add3A_123, %dma_start3A_131] : memref<425984x128xf32, #tpu.memory_space<hbm>> -> memref<128x128xf32, #tpu.memory_space<hbm>>
        %dma_start3A_133 = arith.constant 0 : i32
        %dma_start3A_134 = arith.constant 0 : i32
        %dma_start3A_135 = tpu.memref_slice %arg7[%dma_start3A_124, %dma_start3A_133, %dma_start3A_134] : memref<2x128x128xf32, #tpu.memory_space<vmem>> -> memref<1x128x128xf32, #tpu.memory_space<vmem>>
        %dma_start3A_136 = tpu.memref_squeeze %dma_start3A_135 : memref<1x128x128xf32, #tpu.memory_space<vmem>> -> memref<128x128xf32, #tpu.memory_space<vmem>>
        tpu.enqueue_dma source(%dma_start3A_136 : memref<128x128xf32, #tpu.memory_space<vmem>>) target(%dma_start3A_132 : memref<128x128xf32, #tpu.memory_space<hbm>>) target_semaphore(%arg11 : memref<!tpu.dma_semaphore, #tpu.memory_space<semaphore_mem>>)
      }
      %scan3A_13 = arith.constant 52 : i32
      %add3A_14 = arith.constant 0 : i32
      %add3A_15 = arith.addi %mul3A_2, %add3A_14 : i32
      %dma_wait3A = arith.constant 0 : i32
      %dma_wait3A_16 = arith.constant 0 : i32
      %dma_wait3A_17 = arith.constant 0 : i32
      %dma_wait3A_18 = tpu.memref_slice %arg7[%dma_wait3A, %dma_wait3A_16, %dma_wait3A_17] : memref<2x128x128xf32, #tpu.memory_space<vmem>> -> memref<1x128x128xf32, #tpu.memory_space<vmem>>
      %dma_wait3A_19 = tpu.memref_squeeze %dma_wait3A_18 : memref<1x128x128xf32, #tpu.memory_space<vmem>> -> memref<128x128xf32, #tpu.memory_space<vmem>>
      %dma_wait3A_20 = arith.constant 0 : i32
      %dma_wait3A_21 = tpu.memref_slice %arg5[%add3A_15, %dma_wait3A_20] : memref<425984x128xf32, #tpu.memory_space<hbm>> -> memref<128x128xf32, #tpu.memory_space<hbm>>
      %dma_wait3A_22 = arith.constant 0 : i32
      %dma_wait3A_23 = tpu.memref_slice %arg5[%add3A_15, %dma_wait3A_22] : memref<425984x128xf32, #tpu.memory_space<hbm>> -> memref<128x128xf32, #tpu.memory_space<hbm>>
      %dma_wait3A_24 = arith.constant 0 : i32
      %dma_wait3A_25 = arith.constant 0 : i32
      %dma_wait3A_26 = tpu.memref_slice %arg7[%dma_wait3A, %dma_wait3A_24, %dma_wait3A_25] : memref<2x128x128xf32, #tpu.memory_space<vmem>> -> memref<1x128x128xf32, #tpu.memory_space<vmem>>
      %dma_wait3A_27 = tpu.memref_squeeze %dma_wait3A_26 : memref<1x128x128xf32, #tpu.memory_space<vmem>> -> memref<128x128xf32, #tpu.memory_space<vmem>>
      tpu.wait_dma2 semaphore(%arg10 : memref<!tpu.dma_semaphore, #tpu.memory_space<semaphore_mem>>) src(%dma_wait3A_27 : memref<128x128xf32, #tpu.memory_space<vmem>>) dst(%dma_wait3A_23 : memref<128x128xf32, #tpu.memory_space<hbm>>)
      %add3A_28 = arith.constant 0 : i32
      %add3A_29 = arith.addi %mul3A_2, %add3A_28 : i32
      %dma_wait3A_30 = arith.constant 1 : i32
      %dma_wait3A_31 = arith.constant 0 : i32
      %dma_wait3A_32 = arith.constant 0 : i32
      %dma_wait3A_33 = tpu.memref_slice %arg7[%dma_wait3A_30, %dma_wait3A_31, %dma_wait3A_32] : memref<2x128x128xf32, #tpu.memory_space<vmem>> -> memref<1x128x128xf32, #tpu.memory_space<vmem>>
      %dma_wait3A_34 = tpu.memref_squeeze %dma_wait3A_33 : memref<1x128x128xf32, #tpu.memory_space<vmem>> -> memref<128x128xf32, #tpu.memory_space<vmem>>
      %dma_wait3A_35 = arith.constant 0 : i32
      %dma_wait3A_36 = tpu.memref_slice %arg5[%add3A_29, %dma_wait3A_35] : memref<425984x128xf32, #tpu.memory_space<hbm>> -> memref<128x128xf32, #tpu.memory_space<hbm>>
      %dma_wait3A_37 = arith.constant 0 : i32
      %dma_wait3A_38 = tpu.memref_slice %arg5[%add3A_29, %dma_wait3A_37] : memref<425984x128xf32, #tpu.memory_space<hbm>> -> memref<128x128xf32, #tpu.memory_space<hbm>>
      %dma_wait3A_39 = arith.constant 0 : i32
      %dma_wait3A_40 = arith.constant 0 : i32
      %dma_wait3A_41 = tpu.memref_slice %arg7[%dma_wait3A_30, %dma_wait3A_39, %dma_wait3A_40] : memref<2x128x128xf32, #tpu.memory_space<vmem>> -> memref<1x128x128xf32, #tpu.memory_space<vmem>>
      %dma_wait3A_42 = tpu.memref_squeeze %dma_wait3A_41 : memref<1x128x128xf32, #tpu.memory_space<vmem>> -> memref<128x128xf32, #tpu.memory_space<vmem>>
      tpu.wait_dma2 semaphore(%arg11 : memref<!tpu.dma_semaphore, #tpu.memory_space<semaphore_mem>>) src(%dma_wait3A_42 : memref<128x128xf32, #tpu.memory_space<vmem>>) dst(%dma_wait3A_38 : memref<128x128xf32, #tpu.memory_space<hbm>>)
    } else {
    }
    %ge3A = arith.constant 212992 : i32
    %ge3A_5 = arith.cmpi sge, %mul3A_2, %ge3A : i32
    %convert_element_type3A_6 = arith.extui %ge3A_5 : i1 to i32
    %cond3A_7 = arith.constant 0 : i32
    %cond3A_8 = arith.cmpi ne, %convert_element_type3A_6, %cond3A_7 : i32
    scf.if %cond3A_8 {
      %scan3A = arith.constant 0 : i32
      %scan3A_9 = arith.constant 0 : i32
      %scan3A_10 = arith.constant 52 : i32
      %scan3A_11 = arith.addi %scan3A_9, %scan3A_10 : i32
      %scan3A_12 = arith.constant 1 : i32
      scf.for %scan3A_43 = %scan3A_9 to %scan3A_11 step %scan3A_12  : i32 {
        %mul3A_44 = arith.constant 2 : i32
        %mul3A_45 = arith.muli %scan3A_43, %mul3A_44 : i32
        %gt3A = arith.constant 0 : i32
        %gt3A_46 = arith.cmpi sgt, %scan3A_43, %gt3A : i32
        %convert_element_type3A_47 = arith.extui %gt3A_46 : i1 to i32
        %cond3A_48 = arith.constant 0 : i32
        %cond3A_49 = arith.cmpi ne, %convert_element_type3A_47, %cond3A_48 : i32
        scf.if %cond3A_49 {
          %add3A_137 = arith.constant 0 : i32
          %add3A_138 = arith.addi %mul3A_2, %add3A_137 : i32
          %dma_wait3A_139 = arith.constant 0 : i32
          %dma_wait3A_140 = arith.constant 0 : i32
          %dma_wait3A_141 = arith.constant 0 : i32
          %dma_wait3A_142 = tpu.memref_slice %arg7[%dma_wait3A_139, %dma_wait3A_140, %dma_wait3A_141] : memref<2x128x128xf32, #tpu.memory_space<vmem>> -> memref<1x128x128xf32, #tpu.memory_space<vmem>>
          %dma_wait3A_143 = tpu.memref_squeeze %dma_wait3A_142 : memref<1x128x128xf32, #tpu.memory_space<vmem>> -> memref<128x128xf32, #tpu.memory_space<vmem>>
          %dma_wait3A_144 = arith.constant 0 : i32
          %dma_wait3A_145 = tpu.memref_slice %arg5[%add3A_138, %dma_wait3A_144] : memref<425984x128xf32, #tpu.memory_space<hbm>> -> memref<128x128xf32, #tpu.memory_space<hbm>>
          %dma_wait3A_146 = arith.constant 0 : i32
          %dma_wait3A_147 = tpu.memref_slice %arg5[%add3A_138, %dma_wait3A_146] : memref<425984x128xf32, #tpu.memory_space<hbm>> -> memref<128x128xf32, #tpu.memory_space<hbm>>
          %dma_wait3A_148 = arith.constant 0 : i32
          %dma_wait3A_149 = arith.constant 0 : i32
          %dma_wait3A_150 = tpu.memref_slice %arg7[%dma_wait3A_139, %dma_wait3A_148, %dma_wait3A_149] : memref<2x128x128xf32, #tpu.memory_space<vmem>> -> memref<1x128x128xf32, #tpu.memory_space<vmem>>
          %dma_wait3A_151 = tpu.memref_squeeze %dma_wait3A_150 : memref<1x128x128xf32, #tpu.memory_space<vmem>> -> memref<128x128xf32, #tpu.memory_space<vmem>>
          tpu.wait_dma2 semaphore(%arg10 : memref<!tpu.dma_semaphore, #tpu.memory_space<semaphore_mem>>) src(%dma_wait3A_151 : memref<128x128xf32, #tpu.memory_space<vmem>>) dst(%dma_wait3A_147 : memref<128x128xf32, #tpu.memory_space<hbm>>)
          %add3A_152 = arith.constant 0 : i32
          %add3A_153 = arith.addi %mul3A_2, %add3A_152 : i32
          %dma_wait3A_154 = arith.constant 1 : i32
          %dma_wait3A_155 = arith.constant 0 : i32
          %dma_wait3A_156 = arith.constant 0 : i32
          %dma_wait3A_157 = tpu.memref_slice %arg7[%dma_wait3A_154, %dma_wait3A_155, %dma_wait3A_156] : memref<2x128x128xf32, #tpu.memory_space<vmem>> -> memref<1x128x128xf32, #tpu.memory_space<vmem>>
          %dma_wait3A_158 = tpu.memref_squeeze %dma_wait3A_157 : memref<1x128x128xf32, #tpu.memory_space<vmem>> -> memref<128x128xf32, #tpu.memory_space<vmem>>
          %dma_wait3A_159 = arith.constant 0 : i32
          %dma_wait3A_160 = tpu.memref_slice %arg5[%add3A_153, %dma_wait3A_159] : memref<425984x128xf32, #tpu.memory_space<hbm>> -> memref<128x128xf32, #tpu.memory_space<hbm>>
          %dma_wait3A_161 = arith.constant 0 : i32
          %dma_wait3A_162 = tpu.memref_slice %arg5[%add3A_153, %dma_wait3A_161] : memref<425984x128xf32, #tpu.memory_space<hbm>> -> memref<128x128xf32, #tpu.memory_space<hbm>>
          %dma_wait3A_163 = arith.constant 0 : i32
          %dma_wait3A_164 = arith.constant 0 : i32
          %dma_wait3A_165 = tpu.memref_slice %arg7[%dma_wait3A_154, %dma_wait3A_163, %dma_wait3A_164] : memref<2x128x128xf32, #tpu.memory_space<vmem>> -> memref<1x128x128xf32, #tpu.memory_space<vmem>>
          %dma_wait3A_166 = tpu.memref_squeeze %dma_wait3A_165 : memref<1x128x128xf32, #tpu.memory_space<vmem>> -> memref<128x128xf32, #tpu.memory_space<vmem>>
          tpu.wait_dma2 semaphore(%arg11 : memref<!tpu.dma_semaphore, #tpu.memory_space<semaphore_mem>>) src(%dma_wait3A_166 : memref<128x128xf32, #tpu.memory_space<vmem>>) dst(%dma_wait3A_162 : memref<128x128xf32, #tpu.memory_space<hbm>>)
        } else {
        }
        %add3A_50 = arith.constant 0 : i32
        %add3A_51 = arith.addi %mul3A_45, %add3A_50 : i32
        %mul3A_52 = arith.constant 128 : i32
        %mul3A_53 = arith.muli %add3A_51, %mul3A_52 : i32
        %dma_start3A = arith.constant 0 : i32
        %dma_start3A_54 = arith.constant 0 : i32
        %dma_start3A_55 = arith.constant 0 : i32
        %dma_start3A_56 = tpu.memref_slice %arg7[%dma_start3A, %dma_start3A_54, %dma_start3A_55] : memref<2x128x128xf32, #tpu.memory_space<vmem>> -> memref<1x128x128xf32, #tpu.memory_space<vmem>>
        %dma_start3A_57 = tpu.memref_squeeze %dma_start3A_56 : memref<1x128x128xf32, #tpu.memory_space<vmem>> -> memref<128x128xf32, #tpu.memory_space<vmem>>
        %dma_start3A_58 = tpu.memref_slice %arg6[%mul3A_53] : memref<13312xi32, #tpu.memory_space<vmem>> -> memref<128xi32, #tpu.memory_space<vmem>>
        %dma_start3A_59 = arith.constant 0 : i32
        %dma_start3A_60 = arith.constant 0 : i32
        %dma_start3A_61 = tpu.memref_slice %arg4[%dma_start3A_59, %dma_start3A_60] : memref<130000x128xf32, #tpu.memory_space<hbm>> -> memref<130000x128xf32, #tpu.memory_space<hbm>>
        tpu.enqueue_indirect_dma source(%dma_start3A_61 : memref<130000x128xf32, #tpu.memory_space<hbm>>) target(%dma_start3A_57 : memref<128x128xf32, #tpu.memory_space<vmem>>) offsets(%dma_start3A_58 : memref<128xi32, #tpu.memory_space<vmem>>) semaphore(%arg8 : memref<!tpu.dma_semaphore, #tpu.memory_space<semaphore_mem>>)
        %add3A_62 = arith.constant 1 : i32
        %add3A_63 = arith.addi %mul3A_45, %add3A_62 : i32
        %mul3A_64 = arith.constant 128 : i32
        %mul3A_65 = arith.muli %add3A_63, %mul3A_64 : i32
        %dma_start3A_66 = arith.constant 1 : i32
        %dma_start3A_67 = arith.constant 0 : i32
        %dma_start3A_68 = arith.constant 0 : i32
        %dma_start3A_69 = tpu.memref_slice %arg7[%dma_start3A_66, %dma_start3A_67, %dma_start3A_68] : memref<2x128x128xf32, #tpu.memory_space<vmem>> -> memref<1x128x128xf32, #tpu.memory_space<vmem>>
        %dma_start3A_70 = tpu.memref_squeeze %dma_start3A_69 : memref<1x128x128xf32, #tpu.memory_space<vmem>> -> memref<128x128xf32, #tpu.memory_space<vmem>>
        %dma_start3A_71 = tpu.memref_slice %arg6[%mul3A_65] : memref<13312xi32, #tpu.memory_space<vmem>> -> memref<128xi32, #tpu.memory_space<vmem>>
        %dma_start3A_72 = arith.constant 0 : i32
        %dma_start3A_73 = arith.constant 0 : i32
        %dma_start3A_74 = tpu.memref_slice %arg4[%dma_start3A_72, %dma_start3A_73] : memref<130000x128xf32, #tpu.memory_space<hbm>> -> memref<130000x128xf32, #tpu.memory_space<hbm>>
        tpu.enqueue_indirect_dma source(%dma_start3A_74 : memref<130000x128xf32, #tpu.memory_space<hbm>>) target(%dma_start3A_70 : memref<128x128xf32, #tpu.memory_space<vmem>>) offsets(%dma_start3A_71 : memref<128xi32, #tpu.memory_space<vmem>>) semaphore(%arg9 : memref<!tpu.dma_semaphore, #tpu.memory_space<semaphore_mem>>)
        %add3A_75 = arith.constant 0 : i32
        %add3A_76 = arith.addi %mul3A_45, %add3A_75 : i32
        %mul3A_77 = arith.constant 128 : i32
        %mul3A_78 = arith.muli %add3A_76, %mul3A_77 : i32
        %dma_wait3A_79 = arith.constant 0 : i32
        %dma_wait3A_80 = arith.constant 0 : i32
        %dma_wait3A_81 = arith.constant 0 : i32
        %dma_wait3A_82 = tpu.memref_slice %arg7[%dma_wait3A_79, %dma_wait3A_80, %dma_wait3A_81] : memref<2x128x128xf32, #tpu.memory_space<vmem>> -> memref<1x128x128xf32, #tpu.memory_space<vmem>>
        %dma_wait3A_83 = tpu.memref_squeeze %dma_wait3A_82 : memref<1x128x128xf32, #tpu.memory_space<vmem>> -> memref<128x128xf32, #tpu.memory_space<vmem>>
        %dma_wait3A_84 = tpu.memref_slice %arg6[%mul3A_78] : memref<13312xi32, #tpu.memory_space<vmem>> -> memref<128xi32, #tpu.memory_space<vmem>>
        %dma_wait3A_85 = arith.constant 0 : i32
        %dma_wait3A_86 = arith.constant 0 : i32
        %dma_wait3A_87 = tpu.memref_slice %arg4[%dma_wait3A_85, %dma_wait3A_86] : memref<130000x128xf32, #tpu.memory_space<hbm>> -> memref<130000x128xf32, #tpu.memory_space<hbm>>
        tpu.wait_indirect_dma semaphore(%arg8 : memref<!tpu.dma_semaphore, #tpu.memory_space<semaphore_mem>>) src(%dma_wait3A_87 : memref<130000x128xf32, #tpu.memory_space<hbm>>) dst(%dma_wait3A_83 : memref<128x128xf32, #tpu.memory_space<vmem>>)
        %add3A_88 = arith.constant 0 : i32
        %add3A_89 = arith.addi %mul3A_45, %add3A_88 : i32
        %mul3A_90 = arith.constant 128 : i32
        %mul3A_91 = arith.muli %add3A_89, %mul3A_90 : i32
        %add3A_92 = arith.addi %mul3A_2, %mul3A_91 : i32
        %dma_start3A_93 = arith.constant 0 : i32
        %dma_start3A_94 = arith.constant 0 : i32
        %dma_start3A_95 = arith.constant 0 : i32
        %dma_start3A_96 = tpu.memref_slice %arg7[%dma_start3A_93, %dma_start3A_94, %dma_start3A_95] : memref<2x128x128xf32, #tpu.memory_space<vmem>> -> memref<1x128x128xf32, #tpu.memory_space<vmem>>
        %dma_start3A_97 = tpu.memref_squeeze %dma_start3A_96 : memref<1x128x128xf32, #tpu.memory_space<vmem>> -> memref<128x128xf32, #tpu.memory_space<vmem>>
        %dma_start3A_98 = arith.constant 0 : i32
        %dma_start3A_99 = tpu.memref_slice %arg5[%add3A_92, %dma_start3A_98] : memref<425984x128xf32, #tpu.memory_space<hbm>> -> memref<128x128xf32, #tpu.memory_space<hbm>>
        %dma_start3A_100 = arith.constant 0 : i32
        %dma_start3A_101 = tpu.memref_slice %arg5[%add3A_92, %dma_start3A_100] : memref<425984x128xf32, #tpu.memory_space<hbm>> -> memref<128x128xf32, #tpu.memory_space<hbm>>
        %dma_start3A_102 = arith.constant 0 : i32
        %dma_start3A_103 = arith.constant 0 : i32
        %dma_start3A_104 = tpu.memref_slice %arg7[%dma_start3A_93, %dma_start3A_102, %dma_start3A_103] : memref<2x128x128xf32, #tpu.memory_space<vmem>> -> memref<1x128x128xf32, #tpu.memory_space<vmem>>
        %dma_start3A_105 = tpu.memref_squeeze %dma_start3A_104 : memref<1x128x128xf32, #tpu.memory_space<vmem>> -> memref<128x128xf32, #tpu.memory_space<vmem>>
        tpu.enqueue_dma source(%dma_start3A_105 : memref<128x128xf32, #tpu.memory_space<vmem>>) target(%dma_start3A_101 : memref<128x128xf32, #tpu.memory_space<hbm>>) target_semaphore(%arg10 : memref<!tpu.dma_semaphore, #tpu.memory_space<semaphore_mem>>)
        %add3A_106 = arith.constant 1 : i32
        %add3A_107 = arith.addi %mul3A_45, %add3A_106 : i32
        %mul3A_108 = arith.constant 128 : i32
        %mul3A_109 = arith.muli %add3A_107, %mul3A_108 : i32
        %dma_wait3A_110 = arith.constant 1 : i32
        %dma_wait3A_111 = arith.constant 0 : i32
        %dma_wait3A_112 = arith.constant 0 : i32
        %dma_wait3A_113 = tpu.memref_slice %arg7[%dma_wait3A_110, %dma_wait3A_111, %dma_wait3A_112] : memref<2x128x128xf32, #tpu.memory_space<vmem>> -> memref<1x128x128xf32, #tpu.memory_space<vmem>>
        %dma_wait3A_114 = tpu.memref_squeeze %dma_wait3A_113 : memref<1x128x128xf32, #tpu.memory_space<vmem>> -> memref<128x128xf32, #tpu.memory_space<vmem>>
        %dma_wait3A_115 = tpu.memref_slice %arg6[%mul3A_109] : memref<13312xi32, #tpu.memory_space<vmem>> -> memref<128xi32, #tpu.memory_space<vmem>>
        %dma_wait3A_116 = arith.constant 0 : i32
        %dma_wait3A_117 = arith.constant 0 : i32
        %dma_wait3A_118 = tpu.memref_slice %arg4[%dma_wait3A_116, %dma_wait3A_117] : memref<130000x128xf32, #tpu.memory_space<hbm>> -> memref<130000x128xf32, #tpu.memory_space<hbm>>
        tpu.wait_indirect_dma semaphore(%arg9 : memref<!tpu.dma_semaphore, #tpu.memory_space<semaphore_mem>>) src(%dma_wait3A_118 : memref<130000x128xf32, #tpu.memory_space<hbm>>) dst(%dma_wait3A_114 : memref<128x128xf32, #tpu.memory_space<vmem>>)
        %add3A_119 = arith.constant 1 : i32
        %add3A_120 = arith.addi %mul3A_45, %add3A_119 : i32
        %mul3A_121 = arith.constant 128 : i32
        %mul3A_122 = arith.muli %add3A_120, %mul3A_121 : i32
        %add3A_123 = arith.addi %mul3A_2, %mul3A_122 : i32
        %dma_start3A_124 = arith.constant 1 : i32
        %dma_start3A_125 = arith.constant 0 : i32
        %dma_start3A_126 = arith.constant 0 : i32
        %dma_start3A_127 = tpu.memref_slice %arg7[%dma_start3A_124, %dma_start3A_125, %dma_start3A_126] : memref<2x128x128xf32, #tpu.memory_space<vmem>> -> memref<1x128x128xf32, #tpu.memory_space<vmem>>
        %dma_start3A_128 = tpu.memref_squeeze %dma_start3A_127 : memref<1x128x128xf32, #tpu.memory_space<vmem>> -> memref<128x128xf32, #tpu.memory_space<vmem>>
        %dma_start3A_129 = arith.constant 0 : i32
        %dma_start3A_130 = tpu.memref_slice %arg5[%add3A_123, %dma_start3A_129] : memref<425984x128xf32, #tpu.memory_space<hbm>> -> memref<128x128xf32, #tpu.memory_space<hbm>>
        %dma_start3A_131 = arith.constant 0 : i32
        %dma_start3A_132 = tpu.memref_slice %arg5[%add3A_123, %dma_start3A_131] : memref<425984x128xf32, #tpu.memory_space<hbm>> -> memref<128x128xf32, #tpu.memory_space<hbm>>
        %dma_start3A_133 = arith.constant 0 : i32
        %dma_start3A_134 = arith.constant 0 : i32
        %dma_start3A_135 = tpu.memref_slice %arg7[%dma_start3A_124, %dma_start3A_133, %dma_start3A_134] : memref<2x128x128xf32, #tpu.memory_space<vmem>> -> memref<1x128x128xf32, #tpu.memory_space<vmem>>
        %dma_start3A_136 = tpu.memref_squeeze %dma_start3A_135 : memref<1x128x128xf32, #tpu.memory_space<vmem>> -> memref<128x128xf32, #tpu.memory_space<vmem>>
        tpu.enqueue_dma source(%dma_start3A_136 : memref<128x128xf32, #tpu.memory_space<vmem>>) target(%dma_start3A_132 : memref<128x128xf32, #tpu.memory_space<hbm>>) target_semaphore(%arg11 : memref<!tpu.dma_semaphore, #tpu.memory_space<semaphore_mem>>)
      }
      %scan3A_13 = arith.constant 52 : i32
      %add3A_14 = arith.constant 0 : i32
      %add3A_15 = arith.addi %mul3A_2, %add3A_14 : i32
      %dma_wait3A = arith.constant 0 : i32
      %dma_wait3A_16 = arith.constant 0 : i32
      %dma_wait3A_17 = arith.constant 0 : i32
      %dma_wait3A_18 = tpu.memref_slice %arg7[%dma_wait3A, %dma_wait3A_16, %dma_wait3A_17] : memref<2x128x128xf32, #tpu.memory_space<vmem>> -> memref<1x128x128xf32, #tpu.memory_space<vmem>>
      %dma_wait3A_19 = tpu.memref_squeeze %dma_wait3A_18 : memref<1x128x128xf32, #tpu.memory_space<vmem>> -> memref<128x128xf32, #tpu.memory_space<vmem>>
      %dma_wait3A_20 = arith.constant 0 : i32
      %dma_wait3A_21 = tpu.memref_slice %arg5[%add3A_15, %dma_wait3A_20] : memref<425984x128xf32, #tpu.memory_space<hbm>> -> memref<128x128xf32, #tpu.memory_space<hbm>>
      %dma_wait3A_22 = arith.constant 0 : i32
      %dma_wait3A_23 = tpu.memref_slice %arg5[%add3A_15, %dma_wait3A_22] : memref<425984x128xf32, #tpu.memory_space<hbm>> -> memref<128x128xf32, #tpu.memory_space<hbm>>
      %dma_wait3A_24 = arith.constant 0 : i32
      %dma_wait3A_25 = arith.constant 0 : i32
      %dma_wait3A_26 = tpu.memref_slice %arg7[%dma_wait3A, %dma_wait3A_24, %dma_wait3A_25] : memref<2x128x128xf32, #tpu.memory_space<vmem>> -> memref<1x128x128xf32, #tpu.memory_space<vmem>>
      %dma_wait3A_27 = tpu.memref_squeeze %dma_wait3A_26 : memref<1x128x128xf32, #tpu.memory_space<vmem>> -> memref<128x128xf32, #tpu.memory_space<vmem>>
      tpu.wait_dma2 semaphore(%arg10 : memref<!tpu.dma_semaphore, #tpu.memory_space<semaphore_mem>>) src(%dma_wait3A_27 : memref<128x128xf32, #tpu.memory_space<vmem>>) dst(%dma_wait3A_23 : memref<128x128xf32, #tpu.memory_space<hbm>>)
      %add3A_28 = arith.constant 0 : i32
      %add3A_29 = arith.addi %mul3A_2, %add3A_28 : i32
      %dma_wait3A_30 = arith.constant 1 : i32
      %dma_wait3A_31 = arith.constant 0 : i32
      %dma_wait3A_32 = arith.constant 0 : i32
      %dma_wait3A_33 = tpu.memref_slice %arg7[%dma_wait3A_30, %dma_wait3A_31, %dma_wait3A_32] : memref<2x128x128xf32, #tpu.memory_space<vmem>> -> memref<1x128x128xf32, #tpu.memory_space<vmem>>
      %dma_wait3A_34 = tpu.memref_squeeze %dma_wait3A_33 : memref<1x128x128xf32, #tpu.memory_space<vmem>> -> memref<128x128xf32, #tpu.memory_space<vmem>>
      %dma_wait3A_35 = arith.constant 0 : i32
      %dma_wait3A_36 = tpu.memref_slice %arg5[%add3A_29, %dma_wait3A_35] : memref<425984x128xf32, #tpu.memory_space<hbm>> -> memref<128x128xf32, #tpu.memory_space<hbm>>
      %dma_wait3A_37 = arith.constant 0 : i32
      %dma_wait3A_38 = tpu.memref_slice %arg5[%add3A_29, %dma_wait3A_37] : memref<425984x128xf32, #tpu.memory_space<hbm>> -> memref<128x128xf32, #tpu.memory_space<hbm>>
      %dma_wait3A_39 = arith.constant 0 : i32
      %dma_wait3A_40 = arith.constant 0 : i32
      %dma_wait3A_41 = tpu.memref_slice %arg7[%dma_wait3A_30, %dma_wait3A_39, %dma_wait3A_40] : memref<2x128x128xf32, #tpu.memory_space<vmem>> -> memref<1x128x128xf32, #tpu.memory_space<vmem>>
      %dma_wait3A_42 = tpu.memref_squeeze %dma_wait3A_41 : memref<1x128x128xf32, #tpu.memory_space<vmem>> -> memref<128x128xf32, #tpu.memory_space<vmem>>
      tpu.wait_dma2 semaphore(%arg11 : memref<!tpu.dma_semaphore, #tpu.memory_space<semaphore_mem>>) src(%dma_wait3A_42 : memref<128x128xf32, #tpu.memory_space<vmem>>) dst(%dma_wait3A_38 : memref<128x128xf32, #tpu.memory_space<hbm>>)
    } else {
    }
    return
  }
}

</mosaic_0001>

<sc_bundles>
// kernel: _gather.3.cloned.1.call-start
scs
__scs_entry_jumppad:
0x0: {  	(pc) =	sbr.rel $0x88, $3  }
0x1: {  	(tag) =	ssettag $0x0;
	lr =	simm.s32 $0x1  }
0x2: {  	[smem:$0x3F9E] =	sst lr;
	_ =	strace $0xD0000000  }
0x3: {  	_ = 	snop  }
0x4: {  	_ = 	snop  }
0x5: {  	_ = 	snop  }
0x6: {  	_ = 	snop  }
0x7: {  	_ = 	snop  }
__scs_overlays_trampoline_lowered:
0x8: {  	[smem:$0x3FAD] =	sst s0  }
0x9: {  	[smem:$0x3FAE] =	sst s1  }
0xa: {  	[smem:$0x3FAF] =	sst s2  }
0xb: {  	[smem:$0x3FB0] =	sst s3  }
0xc: {  	[smem:$0x3FB1] =	sst s4  }
0xd: {  	[smem:$0x3FB2] =	sst s5  }
0xe: {  	[smem:$0x3FB3] =	sst s6  }
0xf: {  	[smem:$0x3FB4] =	sst s7  }
0x10: {  	[smem:$0x3FB5] =	sst s8  }
0x11: {  	[smem:$0x3FB6] =	sst s9;
	s0 =	simm.s32 @!p0 $0x0  }
0x12: {  	s1 =	sld [smem:$0x3F9C];
	s0 =	simm.s32 @p0 $0x1  }
0x13: {  	[smem:$0x3FB7] =	sst s0;
	s0 =	simm.s32 @!p1 $0x0  }
0x14: {  	s2 =	sld [smem:$0x3F9B];
	s0 =	simm.s32 @p1 $0x1  }
0x15: {  	[smem:$0x3FB8] =	sst s0;
	s0 =	simm.s32 @!p2 $0x0  }
0x16: {  	s3 =	sld [smem:$0x3FDB];
	s0 =	simm.s32 @p2 $0x1  }
0x17: {  	s4 =	simm.s32 $0x1BF5;
	[smem:$0x3FBA] =	sst s0  }
0x18: {  	s0 =	sld [smem:$0x3F9D];
	_ =	swait.ge [sflag:s4], $0x0  }
0x19: {  	s7 =	sld [smem:$0x3F9E]  }
0x1a: {  	s8 =	sadd.s32 $0xFFFFE003, lr  }
0x1b: {  	s9 =	sadd.s32 $0xFFFFFEF7, lr;
	s5 =	simm.s32 $0xFFFFFFFF;
	p2 =	slt.u32 s8, $0xFFFFF086  }
0x1c: {  	p1 =	slt.u32 s9, $0xF7A;
	s5 =	simm.s32 @!p2 $0x0  }
0x1d: {  	s5 =	simm.s32 @p1 $0x1;
	p0 =	seq.s32 s7, s2  }
0x1e: {  	s7 =	smul.u32 @!p0 $0xF7A, s2;
	p2 =	seq.s32 @!p0 s5, $0x0  }
0x1f: {  	s9 =	smul.u32 $0xF7A, s1;
	s8 =	simm.s32 @!p0 $0x1BF5;
	p2 =	por !p2, p0  }
0x20: {  	[sflag:s8] =	ssyncset.s32 @!p0 $0xFFFFF086;
	s6 =	sadd.s32 @!p0 s3, s7;
	s7 =	simm.s32 @!p0 $0x108  }
0x21: {  	s3 =	sadd.s32 s3, s9;
	s6 =	sadd.s32 @!p0 $0x88, s6;
	s7 =	simm.s32 @p2 $0x1082  }
0x22: {  	[simem:s7], [sflag:s8] =	dma.local @!p0 [hbm:s6], $0xF7A  }
0x23: {  	s9 =	sor.u32 $0xD0000000, s2;
	s6 =	simm.s32 $0x108;
	_ =	swait.ge @!p0 [sflag:s8], $0x0  }
0x24: {  	s3 =	sadd.s32 $0x88, s3;
	s6 =	simm.s32 @!p1 $0x1082;
	[sflag:s4] =	ssyncset.s32 $0xFFFFF086  }
0x25: {  	[simem:s6], [sflag:s4] =	dma.local [hbm:s3], $0xF7A  }
0x26: {  	[smem:$0x3F9E] =	sst s1;
	(tag) =	ssettag s2;
	_ =	strace s9  }
0x27: {  	s1 =	sld [smem:$0x3FAE]  }
0x28: {  	s2 =	sld [smem:$0x3FAF]  }
0x29: {  	s4 =	sld [smem:$0x3FB1]  }
0x2a: {  	p0 =	seq.s32 s5, $0x0;
	s5 =	sld [smem:$0x3FB2]  }
0x2b: {  	s6 =	sld [smem:$0x3FB3]  }
0x2c: {  	s7 =	sld [smem:$0x3FB4]  }
0x2d: {  	s3 =	simm.s32 $0x108;
	s8 =	sld [smem:$0x3FB5]  }
0x2e: {  	s3 =	simm.s32 @!p0 $0x1082;
	s9 =	sld [smem:$0x3FB6]  }
0x2f: {  	lr =	sadd.s32 s0, s3;
	s0 =	sld [smem:$0x3FAD]  }
0x30: {  	s3 =	sld [smem:$0x3FB0]  }
0x31: {  	[smem:$0x3FB9] =	sst s10  }
0x32: {  	s10 =	sld [smem:$0x3FB7];
	_ =	sdelay $0x3  }
0x33: {  	p0 =	seq.s32 s10, $0x1;
	s10 =	sld [smem:$0x3FB9];
	_ =	sdelay $0x3  }
0x34: {  	[smem:$0x3FB9] =	sst s10  }
0x35: {  	s10 =	sld [smem:$0x3FB8];
	_ =	sdelay $0x3  }
0x36: {  	p1 =	seq.s32 s10, $0x1;
	s10 =	sld [smem:$0x3FB9];
	_ =	sdelay $0x3  }
0x37: {  	[smem:$0x3FB9] =	sst s10  }
0x38: {  	s10 =	sld [smem:$0x3FBA]  }
0x39: {  	_ = 	snop;
	(pc) =	sbr.ind lr, $3  }
0x3a: {  	_ = 	snop  }
0x3b: {  	_ = 	snop  }
0x3c: {  	p2 =	seq.s32 s10, $0x1;
	s10 =	sld [smem:$0x3FB9]  }
0x3d: {  	_ =	shalt  }
0x3e: {  	_ =	shalt  }
0x3f: {  	_ =	shalt  }
0x40: {  	_ =	shalt  }
0x41: {  	_ =	shalt  }
0x42: {  	_ =	shalt  }
0x43: {  	_ =	shalt  }
0x44: {  	_ =	shalt  }
0x45: {  	_ =	shalt  }
0x46: {  	_ =	shalt  }
0x47: {  	_ =	shalt  }
0x48: {  	_ =	shalt  }
0x49: {  	_ =	shalt  }
0x4a: {  	_ =	shalt  }
0x4b: {  	_ =	shalt  }
0x4c: {  	_ =	shalt  }
0x4d: {  	_ =	shalt  }
0x4e: {  	_ =	shalt  }
0x4f: {  	_ =	shalt  }
0x50: {  	_ =	shalt  }
0x51: {  	_ =	shalt  }
0x52: {  	_ =	shalt  }
0x53: {  	_ =	shalt  }
0x54: {  	_ =	shalt  }
0x55: {  	_ =	shalt  }
0x56: {  	_ =	shalt  }
0x57: {  	_ =	shalt  }
0x58: {  	_ =	shalt  }
0x59: {  	_ =	shalt  }
0x5a: {  	_ =	shalt  }
0x5b: {  	_ =	shalt  }
0x5c: {  	_ =	shalt  }
0x5d: {  	_ =	shalt  }
0x5e: {  	_ =	shalt  }
0x5f: {  	_ =	shalt  }
0x60: {  	_ =	shalt  }
0x61: {  	_ =	shalt  }
0x62: {  	_ =	shalt  }
0x63: {  	_ =	shalt  }
0x64: {  	_ =	shalt  }
0x65: {  	_ =	shalt  }
0x66: {  	_ =	shalt  }
0x67: {  	_ =	shalt  }
0x68: {  	_ =	shalt  }
0x69: {  	_ =	shalt  }
0x6a: {  	_ =	shalt  }
0x6b: {  	_ =	shalt  }
0x6c: {  	_ =	shalt  }
0x6d: {  	_ =	shalt  }
0x6e: {  	_ =	shalt  }
0x6f: {  	_ =	shalt  }
0x70: {  	_ =	shalt  }
0x71: {  	_ =	shalt  }
0x72: {  	_ =	shalt  }
0x73: {  	_ =	shalt  }
0x74: {  	_ =	shalt  }
0x75: {  	_ =	shalt  }
0x76: {  	_ =	shalt  }
0x77: {  	_ =	shalt  }
0x78: {  	_ =	shalt  }
0x79: {  	_ =	shalt  }
0x7a: {  	_ =	shalt  }
0x7b: {  	_ =	shalt  }
0x7c: {  	_ =	shalt  }
0x7d: {  	_ =	shalt  }
0x7e: {  	_ =	shalt  }
0x7f: {  	_ =	shalt  }
0x80: {  	_ =	shalt  }
0x81: {  	_ =	shalt  }
0x82: {  	_ =	shalt  }
0x83: {  	_ =	shalt  }
0x84: {  	_ =	shalt  }
0x85: {  	_ =	shalt  }
0x86: {  	_ =	shalt  }
0x87: {  	_ =	shalt  }
.Lfunc_end0:
.L_simem_size_0:
called_computation_lowered:
.L_overlay_start_0:
0x88: {  	s2 =	sld [smem:$0x3FD9]  }
0x89: {  	s3 =	sld [smem:$0x3FFE];
	_ =	sdelay $0x1  }
0x8a: {  	s1 =	srdreg.scid  }
0x8b: {  	s0 =	sand.u32 $0x1, s1  }
0x8c: {  	s18 =	sshll.u32 s0, $0xA;
	s2 =	sadd.s32 s3, s2  }
0x8d: {  	s2 =	sadd.s32 s2, s18  }
0x8e: {  	[smem:$0x3FC5] =	sst s2  }
0x8f: {  	_ = 	snop  }
0x90: {  	s2 =	sld [smem:$0x3FC9]  }
0x91: {  	s19 =	sld [smem:$0x3FC8]  }
0x92: {  	s4 =	sld [smem:$0x3FC7]  }
0x93: {  	s5 =	sld [smem:$0x3FD0];
	(tm) =	ssettm $0x1  }
0x94: {  	s6 =	sld [smem:$0x3FFB];
	_ =	sdelay $0x3  }
0x95: {  	_ =	strace s6  }
0x96: {  	s6 =	sld [smem:$0x3FFC];
	_ =	sdelay $0x3  }
0x97: {  	_ =	strace s6  }
0x98: {  	s6 =	sld [smem:$0x3FFD];
	_ =	sdelay $0x3  }
0x99: {  	_ =	strace s6  }
0x9a: {  	_ =	strace $0x8FFFFFFF  }
0x9b: {  	s20 =	sld [smem:$0x3FDB];
	_ =	sdelay $0x1  }
0x9c: {  	s7 =	simm.s32 $_scs_section_size  }
0x9d: {  	s8 =	simm.s32 $_size__tile_overlayer_lowered;
	s9 =	simm.s32 $_tile_overlayer_lowered  }
0x9e: {  	s23 =	simm.s32 $0x1BFF;
	s22 =	sshll.u32 s9, $0x1;
	s6 =	sadd.s32 s7, s20  }
0x9f: {  	s10 =	simm.s32 $0x0;
	s21 =	sshll.u32 s8, $0x1;
	s8 =	sadd.s32 s22, s6  }
0xa0: {  	[timem:s10], [sflag:s23] =	dma.local [hbm:s8], s21  }
0xa1: {  	_ =	swait.ge [sflag:s23], s21  }
0xa2: {  	s7 =	ssub.s32 $0x0, s21;
	[sflag:s23] =	ssyncset.done $0x0  }
0xa3: {  	[sflag:s23] =	ssyncadd.s32 s7;
	_ =	sdelay $0x1  }
0xa4: {  	s24 =	simm.s32 $0x1B8B  }
0xa5: {  	_ =	swait.ge [sflag:s24], $0x1  }
0xa6: {  	[sflag:s24] =	ssyncset.done $0x0  }
0xa7: {  	s25 =	simm.s32 $0x1B8E;
	[sflag:s24] =	ssyncadd.s32 $0xFFFFFFFF  }
0xa8: {  	s26 =	simm.s32 $execute0_lowered;
	[smem:$0x3FD2] =	sst s25  }
0xa9: {  	s7 =	sshll.u32 s26, $0x1;
	_ =	strace $0x80000046;
	[dreg:$0x1] =	wrdreg $0xFFFFFFFF  }
0xaa: {  	s28 =	simm.s32 $_size_execute0_lowered;
	s6 =	sadd.s32 s6, s7;
	[dreg:$0x0] =	wrdreg $0x0  }
0xab: {  	s7 =	sshll.u32 s28, $0x1;
	[dreg:$0x2] =	wrdreg s6  }
0xac: {  	[dreg:$0x3] =	wrdreg s7  }
0xad: {  	[dreg:$0x4] =	wrdreg $0xC0  }
0xae: {  	_ =	task [dreg:s10], $0x5FFFF  }
0xaf: {  	[dreg:$0x1] =	wrdreg $0xFFFFFFFF  }
0xb0: {  	[dreg:$0x0] =	wrdreg $0x60  }
0xb1: {  	[dreg:$0x2] =	wrdreg s2  }
0xb2: {  	[dreg:$0x3] =	wrdreg s19  }
0xb3: {  	[dreg:$0x4] =	wrdreg s4  }
0xb4: {  	[dreg:$0x5] =	wrdreg s5  }
0xb5: {  	[dreg:$0x6] =	wrdreg $0x9  }
0xb6: {  	_ =	task.clear_ibuf [dreg:s10], $0x7FFFF;
	_ =	strace $0x90000046  }
0xb7: {  	s29 =	simm.s32 $0x9;
	_ =	strace $0x80000048  }
0xb8: {  	_ =	swait.ge [sflag:s29], $0x1  }
0xb9: {  	[sflag:s29] =	ssyncadd.s32 $0xFFFFFFFF  }
0xba: {  	_ =	strace $0x90000048  }
0xbb: {  	_ =	sfence  }
0xbc: {  	s30 =	sld [smem:$0x0];
	_ =	sdelay $0x2  }
0xbd: {  	s31 =	sshll.u32 s1, $0xD;
	s1 =	sshrl.u32 s1, $0x2  }
0xbe: {  	s3 =	sand.u32 $0x4000, s31;
	s1 =	sadd.s32 s1, s30  }
0xbf: {  	s0 =	sor.u32 s3, s0;
	s1 =	sshll.u32 s1, $0x11  }
0xc0: {  	s0 =	sor.u32 s1, s0  }
0xc1: {  	s0 =	sadd.s32 $0x8F2B, s0  }
0xc2: {  	[sflag:s0] =	ssyncadd.remote.s32 $0x1  }
0xc3: {  	_ =	sfence.sel $0xFFFF  }
0xc4: {  	[dreg:$0x0] =	wrdreg $0xFFFFFFFF;
	(pc) =	sbr.abs _section_cstart, $3  }
0xc5: {  	[dreg:$0x1] =	wrdreg $0xFFFFFFFF  }
0xc6: {  	_ =	task.clear_ibuf [dreg:s10], $0x2FFFF;
	_ =	strace $0x9FFFFFFF  }
0xc7: {  	(tm) =	ssettm $0x7FFFFFFF  }
tec
execute0_lowered:
.L_overlay_start_1:
0x0: {  	(tag) =	ssettag $0x1  }
0x1: {  	s5 =	rddreg [dreg:$0x0]  }
0x2: {  	s1 =	rddreg [dreg:$0x1]  }
0x3: {  	s2 =	srdreg.scid;
	s3 =	rddreg [dreg:$0x2]  }
0x4: {  	s0 =	stileid.u32;
	s9 =	rddreg [dreg:$0x3]  }
0x5: {  	s4 =	simm.s32 $0x0;
	s14 =	simm.s32 $0x7400;
	s15 =	simm.s32 $0x1  }
0x6: {  	s16 =	simm.s32 $0x2;
	s17 =	simm.s32 $0x3;
	s18 =	simm.s32 $0x4  }
0x7: {  	s19 =	simm.s32 $0x0;
	s7 =	sand.u32 $0x1, s2;
	s11 =	smul.u32 $0x6800, s0  }
0x8: {  	s26 =	sshll.u32 s0, $0x1;
	s2 =	rddreg [dreg:$0x4];
	s29 =	smul.u32 $0x68000, s0  }
0x9: {  	[smem:$0x7FF] =	sst s4;
	p0 =	sgt.u32 s0, $0x7;
	s13 =	smul.u32 $0x3400, s7  }
0xa: {  	s6 =	sor.u32 s7, s26;
	s28 =	ssub.s32 $0x2, s7;
	s30 =	smul.u32 $0x34000, s7  }
0xb: {  	_ =	strace $0x80000047;
	s8 =	smul.u32 $0x3400, s6;
	s12 =	sshrl.u32 s28, $0x1  }
0xc: {  	s10 =	smul.u32 $0x34000, s6;
	s31 =	sadd.s32 s29, s9;
	s6 =	ssub.s32 s28, s12  }
.Ltmp0:
0xd: {  	s11 =	sadd.s32 s13, s11;
	s12 =	simm.s32 $0x80;
	(pc) =	sbr.rel .LBB2_1-.Ltmp0, $4  }
0xe: {  	s13 =	simm.s32 $0x3400;
	s8 =	sshrl.u32 s8, $0x3;
	s6 =	smax.u32 s6, $0x1  }
0xf: {  	s7 =	sadd.s32 s9, s10;
	s11 =	sshll.u32 s11, $0x4;
	s10 =	sadd.s32 s30, s31  }
0x10: {  	s5 =	sadd.s32 s5, s8;
	s8 =	sadd.s32 $0x800, s7;
	s11 =	sadd.s32 s11, s9  }
0x11: {  	s9 =	sadd.s32 $0x1000, s10;
	s10 =	sadd.s32 $0x1800, s11;
	s11 =	simm.s32 $0x5  }
.LBB2_7:
0x12: {  	[hbm4b:s22+s4] =	stream.linear.scatter [tilespmem:s14], [sflag:$0x4], $0x4000, $0x38;
	[tilespmem:$0xB400] =	vst v63  }
.LBB2_8:
0x13: {  	s19 =	sadd.s32 $0x1, s19  }
0x14: {  	_ =	swait.ge [sflag:s17], $0x4000;
	p1 =	sne.s32 s19, s6  }
.Ltmp1:
0x15: {  	[sflag:s17] =	ssyncset.done $0x0;
	(pc) =	sbr.rel @!p1 .LBB2_9-.Ltmp1, $4  }
0x16: {  	[sflag:s17] =	ssyncadd.s32 $0xFFFFC000  }
0x17: {  	_ =	swait.ge [sflag:s18], $0x4000  }
0x18: {  	[sflag:s18] =	ssyncset.done $0x0  }
0x19: {  	[sflag:s18] =	ssyncadd.s32 $0xFFFFC000  }
.LBB2_1:
.Ltmp2:
0x1a: {  	(pc) =	sbr.rel @p0 .LBB2_5-.Ltmp2, $4  }
0x1b: {  	[tilespmem:s4], [sflag:$0x5] =	stream.linear.gather [hbm4b:s5+s4], $0x3400, $0x38;
	[tilespmem:$0xB400] =	vst v63  }
0x1c: {  	_ =	swait.ge [sflag:s11], $0x3400  }
0x1d: {  	[sflag:s11] =	ssyncset.done $0x0  }
0x1e: {  	s20 =	simm.s32 $0x0;
	[sflag:s11] =	ssyncadd.s32 $0xFFFFCC00  }
0x1f: {  	[tilespmem:s13], [sflag:$0x1] =	stream.indirect.gather [hbm4b:s1+s12], $0x80, s20, s12, $0xb8;
	[tilespmem:$0xB400] =	vst v63  }
0x20: {  	_ = 	snop  }
0x21: {  	[tilespmem:s14], [sflag:$0x2] =	stream.indirect.gather [hbm4b:s1+s12], $0x80, s12, s12, $0xb8;
	[tilespmem:$0xB400] =	vst v63  }
0x22: {  	_ =	swait.ge [sflag:s15], $0x4000  }
0x23: {  	[sflag:s15] =	ssyncset.done $0x0  }
0x24: {  	[sflag:s15] =	ssyncadd.s32 $0xFFFFC000  }
0x25: {  	[hbm4b:s7+s20] =	stream.linear.scatter [tilespmem:s13], [sflag:$0x3], $0x4000, $0x38;
	[tilespmem:$0xB400] =	vst v63  }
0x26: {  	_ =	swait.ge [sflag:s16], $0x4000  }
0x27: {  	[sflag:s16] =	ssyncset.done $0x0  }
0x28: {  	[sflag:s16] =	ssyncadd.s32 $0xFFFFC000  }
0x29: {  	[hbm4b:s8+s20] =	stream.linear.scatter [tilespmem:s14], [sflag:$0x4], $0x4000, $0x38;
	[tilespmem:$0xB400] =	vst v63  }
0x2a: {  	_ =	swait.ge [sflag:s17], $0x4000  }
0x2b: {  	[sflag:s17] =	ssyncset.done $0x0  }
0x2c: {  	[sflag:s17] =	ssyncadd.s32 $0xFFFFC000  }
0x2d: {  	_ =	swait.ge [sflag:s18], $0x4000  }
0x2e: {  	[sflag:s18] =	ssyncset.done $0x0  }
0x2f: {  	s29 =	simm.s32 $0x100;
	[sflag:s18] =	ssyncadd.s32 $0xFFFFC000  }
0x30: {  	[tilespmem:s13], [sflag:$0x1] =	stream.indirect.gather [hbm4b:s1+s12], $0x80, s29, s12, $0xb8;
	[tilespmem:$0xB400] =	vst v63  }
0x31: {  	s30 =	simm.s32 $0x180  }
0x32: {  	[tilespmem:s14], [sflag:$0x2] =	stream.indirect.gather [hbm4b:s1+s12], $0x80, s30, s12, $0xb8;
	[tilespmem:$0xB400] =	vst v63  }
0x33: {  	_ =	swait.ge [sflag:s15], $0x4000  }
0x34: {  	[sflag:s15] =	ssyncset.done $0x0  }
0x35: {  	s31 =	sadd.s32 $0x0, s9;
	[sflag:s15] =	ssyncadd.s32 $0xFFFFC000  }
0x36: {  	[hbm4b:s31+s4] =	stream.linear.scatter [tilespmem:s13], [sflag:$0x3], $0x4000, $0x38;
	[tilespmem:$0xB400] =	vst v63  }
0x37: {  	_ =	swait.ge [sflag:s16], $0x4000  }
0x38: {  	s22 =	sadd.s32 $0x0, s10;
	[sflag:s16] =	ssyncset.done $0x0  }
0x39: {  	s21 =	simm.s32 $0x200;
	s20 =	simm.s32 $0x1000;
	[sflag:s16] =	ssyncadd.s32 $0xFFFFC000  }
.LBB2_3:
0x3a: {  	[hbm4b:s22+s4] =	stream.linear.scatter [tilespmem:s14], [sflag:$0x4], $0x4000, $0x38;
	[tilespmem:$0xB400] =	vst v63  }
0x3b: {  	s22 =	smov.u32 s20  }
0x3c: {  	p1 =	seq.s32 s20, $0x32000;
	s20 =	sadd.s32 $0x1000, s20;
	_ =	swait.ge [sflag:s17], $0x4000  }
0x3d: {  	[sflag:s17] =	ssyncset.done $0x0  }
0x3e: {  	[sflag:s17] =	ssyncadd.s32 $0xFFFFC000  }
0x3f: {  	_ =	swait.ge [sflag:s18], $0x4000  }
0x40: {  	[sflag:s18] =	ssyncset.done $0x0  }
0x41: {  	[sflag:s18] =	ssyncadd.s32 $0xFFFFC000  }
0x42: {  	[tilespmem:s13], [sflag:$0x1] =	stream.indirect.gather [hbm4b:s1+s12], $0x80, s21, s12, $0xb8;
	[tilespmem:$0xB400] =	vst v63  }
0x43: {  	s23 =	sadd.s32 $0x80, s21  }
0x44: {  	[tilespmem:s14], [sflag:$0x2] =	stream.indirect.gather [hbm4b:s1+s12], $0x80, s23, s12, $0xb8;
	[tilespmem:$0xB400] =	vst v63  }
0x45: {  	_ =	swait.ge [sflag:s15], $0x4000  }
0x46: {  	[sflag:s15] =	ssyncset.done $0x0  }
.Ltmp3:
0x47: {  	s23 =	sadd.s32 s22, s9;
	[sflag:s15] =	ssyncadd.s32 $0xFFFFC000;
	(pc) =	sbr.rel @!p1 .LBB2_3-.Ltmp3, $4  }
0x48: {  	[hbm4b:s23+s4] =	stream.linear.scatter [tilespmem:s13], [sflag:$0x3], $0x4000, $0x38;
	[tilespmem:$0xB400] =	vst v63  }
0x49: {  	_ =	swait.ge [sflag:s16], $0x4000  }
0x4a: {  	[sflag:s16] =	ssyncset.done $0x0  }
0x4b: {  	s21 =	sadd.s32 $0x100, s21;
	s22 =	sadd.s32 s22, s10;
	[sflag:s16] =	ssyncadd.s32 $0xFFFFC000  }
.Ltmp4:
0x4c: {  	(pc) =	sbr.rel .LBB2_8-.Ltmp4, $2  }
0x4d: {  	_ =	sdelay $0x2  }
0x4e: {  	[hbm4b:s22+s4] =	stream.linear.scatter [tilespmem:s14], [sflag:$0x4], $0x4000, $0x38;
	[tilespmem:$0xB400] =	vst v63  }
.LBB2_5:
0x4f: {  	[tilespmem:s13], [sflag:$0x1] =	stream.indirect.gather [hbm4b:s3+s12], $0x80, s20, s12, $0xb8;
	[tilespmem:$0xB400] =	vst v63  }
0x50: {  	_ = 	snop  }
0x51: {  	[tilespmem:s14], [sflag:$0x2] =	stream.indirect.gather [hbm4b:s3+s12], $0x80, s12, s12, $0xb8;
	[tilespmem:$0xB400] =	vst v63  }
0x52: {  	_ =	swait.ge [sflag:s15], $0x4000  }
0x53: {  	[sflag:s15] =	ssyncset.done $0x0  }
0x54: {  	[sflag:s15] =	ssyncadd.s32 $0xFFFFC000  }
0x55: {  	[hbm4b:s7+s20] =	stream.linear.scatter [tilespmem:s13], [sflag:$0x3], $0x4000, $0x38;
	[tilespmem:$0xB400] =	vst v63  }
0x56: {  	_ =	swait.ge [sflag:s16], $0x4000  }
0x57: {  	[sflag:s16] =	ssyncset.done $0x0  }
0x58: {  	[sflag:s16] =	ssyncadd.s32 $0xFFFFC000  }
0x59: {  	[hbm4b:s8+s20] =	stream.linear.scatter [tilespmem:s14], [sflag:$0x4], $0x4000, $0x38;
	[tilespmem:$0xB400] =	vst v63  }
0x5a: {  	_ =	swait.ge [sflag:s17], $0x4000  }
0x5b: {  	[sflag:s17] =	ssyncset.done $0x0  }
0x5c: {  	[sflag:s17] =	ssyncadd.s32 $0xFFFFC000  }
0x5d: {  	_ =	swait.ge [sflag:s18], $0x4000  }
0x5e: {  	[sflag:s18] =	ssyncset.done $0x0  }
0x5f: {  	s29 =	simm.s32 $0x100;
	[sflag:s18] =	ssyncadd.s32 $0xFFFFC000  }
0x60: {  	[tilespmem:s13], [sflag:$0x1] =	stream.indirect.gather [hbm4b:s3+s12], $0x80, s29, s12, $0xb8;
	[tilespmem:$0xB400] =	vst v63  }
0x61: {  	s30 =	simm.s32 $0x180  }
0x62: {  	[tilespmem:s14], [sflag:$0x2] =	stream.indirect.gather [hbm4b:s3+s12], $0x80, s30, s12, $0xb8;
	[tilespmem:$0xB400] =	vst v63  }
0x63: {  	_ =	swait.ge [sflag:s15], $0x4000  }
0x64: {  	[sflag:s15] =	ssyncset.done $0x0  }
0x65: {  	s31 =	sadd.s32 $0x0, s9;
	[sflag:s15] =	ssyncadd.s32 $0xFFFFC000  }
0x66: {  	[hbm4b:s31+s4] =	stream.linear.scatter [tilespmem:s13], [sflag:$0x3], $0x4000, $0x38;
	[tilespmem:$0xB400] =	vst v63  }
0x67: {  	_ =	swait.ge [sflag:s16], $0x4000  }
0x68: {  	s22 =	sadd.s32 $0x0, s10;
	[sflag:s16] =	ssyncset.done $0x0  }
0x69: {  	s21 =	simm.s32 $0x200;
	s20 =	simm.s32 $0x1000;
	[sflag:s16] =	ssyncadd.s32 $0xFFFFC000  }
.LBB2_6:
0x6a: {  	[hbm4b:s22+s4] =	stream.linear.scatter [tilespmem:s14], [sflag:$0x4], $0x4000, $0x38;
	[tilespmem:$0xB400] =	vst v63  }
0x6b: {  	s22 =	smov.u32 s20  }
0x6c: {  	p1 =	sne.s32 s20, $0x32000;
	s20 =	sadd.s32 $0x1000, s20;
	_ =	swait.ge [sflag:s17], $0x4000  }
0x6d: {  	[sflag:s17] =	ssyncset.done $0x0  }
0x6e: {  	[sflag:s17] =	ssyncadd.s32 $0xFFFFC000  }
0x6f: {  	_ =	swait.ge [sflag:s18], $0x4000  }
0x70: {  	[sflag:s18] =	ssyncset.done $0x0  }
0x71: {  	[sflag:s18] =	ssyncadd.s32 $0xFFFFC000  }
0x72: {  	[tilespmem:s13], [sflag:$0x1] =	stream.indirect.gather [hbm4b:s3+s12], $0x80, s21, s12, $0xb8;
	[tilespmem:$0xB400] =	vst v63  }
0x73: {  	s23 =	sadd.s32 $0x80, s21  }
0x74: {  	[tilespmem:s14], [sflag:$0x2] =	stream.indirect.gather [hbm4b:s3+s12], $0x80, s23, s12, $0xb8;
	[tilespmem:$0xB400] =	vst v63  }
0x75: {  	_ =	swait.ge [sflag:s15], $0x4000  }
0x76: {  	[sflag:s15] =	ssyncset.done $0x0  }
.Ltmp5:
0x77: {  	s23 =	sadd.s32 s22, s9;
	[sflag:s15] =	ssyncadd.s32 $0xFFFFC000;
	(pc) =	sbr.rel @p1 .LBB2_6-.Ltmp5, $4  }
0x78: {  	[hbm4b:s23+s4] =	stream.linear.scatter [tilespmem:s13], [sflag:$0x3], $0x4000, $0x38;
	[tilespmem:$0xB400] =	vst v63  }
0x79: {  	_ =	swait.ge [sflag:s16], $0x4000  }
0x7a: {  	[sflag:s16] =	ssyncset.done $0x0  }
0x7b: {  	s21 =	sadd.s32 $0x100, s21;
	s22 =	sadd.s32 s22, s10;
	[sflag:s16] =	ssyncadd.s32 $0xFFFFC000  }
.Ltmp6:
0x7c: {  	_ = 	snop;
	(pc) =	sbr.rel .LBB2_7-.Ltmp6, $1  }
0x7d: {  	_ =	sdelay $0x3  }
.LBB2_9:
0x7e: {  	_ =	sfence.sel $0x180000  }
0x7f: {  	[bflag:$0x0] =	sbarrier.arrive $0xFFFF  }
0x80: {  	p0 =	sne.s32 s0, $0x0;
	_ =	strace $0x90000047  }
0x81: {  	s0 =	sadd.s32 @!p0 $0x100000, s2;
	[bflag:$0x2] =	sbarrier.arrive $0xFFFF  }
0x82: {  	[sflag:s0] =	ssyncadd.tile.s32 @!p0 $0x1;
	_ =	shalt  }
.Lfunc_end2:
_tile_overlayer_lowered:
.L_overlay_start_2:
0x83: {  	(tag) =	ssettag $0x2  }
0x84: {  	s0 =	rddreg [dreg:$0x0];
	s2 =	stileid.u32  }
0x85: {  	s1 =	rddreg [dreg:$0x1];
	p0 =	sne.s32 s2, $0x0  }
0x86: {  	s3 =	rddreg [dreg:$0x2];
	[bflag:$0x3] =	sbarrier.arrive $0xFFFF;
	s2 =	simm.s32 @!p0 $0x1C05  }
0x87: {  	[timem:s3], [sflag:s2] =	dma.local @!p0 [hbm:s0], s1  }
0x88: {  	s0 =	simm.s32 @!p0 $0x5  }
0x89: {  	_ =	swait.ge @!p0 [sflag:s0], s1  }
0x8a: {  	s1 =	ssub.s32 @!p0 $0x0, s1;
	[sflag:s0] =	ssyncset.done @!p0 $0x0  }
0x8b: {  	[sflag:s0] =	ssyncadd.s32 @!p0 s1  }
0x8c: {  	[bflag:$0x3] =	sbarrier.arrive $0xFFFF  }
0x8d: {  	_ =	shalt  }

</sc_bundles>
